<compile_context>
chip_gen: v7x
topology: tpu7x:2x2x1
jax: 0.10.2.dev20260603
libtpu: 0.0.44.dev20260713+nightly
codegen_flags: <defaults>
</compile_context>

<pallas_src>
import functools

import jax
import jax.numpy as jnp
from jax import lax
from jax.experimental import pallas as pl
from jax.experimental.pallas import tpu as pltpu
from jax.experimental.pallas import tpu_sc as plsc

_B = 16384
_D = 64
_NPAIR = 21
_NW = 32
_ITEMS_W = _B // _NW
_PAIRS_W = _ITEMS_W * _NPAIR
_CHUNK = 128
_NCH = _PAIRS_W // _CHUNK
_CCH = _ITEMS_W // _CHUNK
_ROWS_TC = (_B * _NPAIR) // 128


@functools.partial(
    pl.kernel,
    out_type=jax.ShapeDtypeStruct((_NW, _NCH, _CHUNK), jnp.float32),
    mesh=plsc.VectorSubcoreMesh(core_axis_name="c", subcore_axis_name="s"),
    compiler_params=pltpu.CompilerParams(use_tc_tiling_on_sc=False),
    scratch_types=[
        pltpu.VMEM((_CCH, _CHUNK), jnp.int32),
        pltpu.VMEM((_NCH, _CHUNK), jnp.int32),
        pltpu.VMEM((_ITEMS_W, _D), jnp.float32),
        pltpu.VMEM((_CHUNK, _D), jnp.float32),
        pltpu.VMEM((_NCH, _CHUNK), jnp.float32),
        pltpu.SemaphoreType.DMA,
        pltpu.SemaphoreType.DMA,
    ],
)
def _sc_scores(cidx_hbm, pidx_hbm, ctr_tab_hbm, ctx_tab_hbm,
               out_hbm, cidx_v, pidx_v, crows_v, prows_v, scores_v,
               sem_c, sem_p):
    wid = lax.axis_index("s") * 2 + lax.axis_index("c")
    pltpu.sync_copy(cidx_hbm.at[wid], cidx_v)
    pltpu.sync_copy(pidx_hbm.at[wid], pidx_v)

    for j in range(_CCH):
        pltpu.async_copy(
            ctr_tab_hbm.at[cidx_v.at[j]],
            crows_v.at[pl.ds(j * _CHUNK, _CHUNK)],
            sem_c,
        ).wait()

    lane = lax.broadcasted_iota(jnp.int32, (16,), 0)
    zero16 = jnp.zeros((16,), jnp.float32)

    def chunk_body(g, carry):
        pltpu.async_copy(ctx_tab_hbm.at[pidx_v.at[g]], prows_v, sem_p).wait()

        def group_body(t, carry):
            def pair_body(u, c):
                sacc, ii, cnt = c
                q = t * 16 + u
                c0 = crows_v[ii, pl.ds(0, 16)]
                c1 = crows_v[ii, pl.ds(16, 16)]
                c2 = crows_v[ii, pl.ds(32, 16)]
                c3 = crows_v[ii, pl.ds(48, 16)]
                r0 = prows_v[q, pl.ds(0, 16)]
                r1 = prows_v[q, pl.ds(16, 16)]
                r2 = prows_v[q, pl.ds(32, 16)]
                r3 = prows_v[q, pl.ds(48, 16)]
                v = c0 * r0 + c1 * r1 + c2 * r2 + c3 * r3
                for shift in (8, 4, 2, 1):
                    v = v + v.at[lane ^ shift].get(
                        mode="promise_in_bounds", unique_indices=True)
                sacc = jnp.where(lane == u, v, sacc)
                cnt = cnt + 1
                wrap = cnt >= _NPAIR
                ii = ii + wrap.astype(jnp.int32)
                cnt = jnp.where(wrap, 0, cnt)
                return (sacc, ii, cnt)

            ii, cnt = carry
            sacc, ii, cnt = lax.fori_loop(0, 16, pair_body, (zero16, ii, cnt))
            scores_v[g, pl.ds(t * 16, 16)] = sacc
            return (ii, cnt)

        return lax.fori_loop(0, 8, group_body, carry)

    lax.fori_loop(0, _NCH, chunk_body,
                  (jnp.int32(0), jnp.int32(0)))
    pltpu.sync_copy(scores_v, out_hbm.at[wid])


def _tc_loss_body(s_ref, o_ref):
    s = s_ref[...]
    p = (lax.broadcasted_iota(jnp.int32, (_ROWS_TC, 128), 0) * 128
         + lax.broadcasted_iota(jnp.int32, (_ROWS_TC, 128), 1))
    sgn = jnp.where(lax.rem(p, _NPAIR) == 0, jnp.float32(1.0),
                    jnp.float32(-1.0))
    o_ref[0, 0] = -jnp.sum(jax.nn.log_sigmoid(s * sgn)) / _B


_tc_loss = pl.pallas_call(
    _tc_loss_body,
    out_shape=jax.ShapeDtypeStruct((1, 1), jnp.float32),
    out_specs=pl.BlockSpec(memory_space=pltpu.SMEM),
)


def kernel(center_words, context_words, negative_words, center_table,
           context_table):
    pidx = jnp.concatenate([context_words[:, None], negative_words], axis=1)
    pidx = pidx.reshape(_NW, _NCH, _CHUNK)
    cidx = center_words.reshape(_NW, _CCH, _CHUNK)
    scores = _sc_scores(cidx, pidx, center_table, context_table)
    loss = _tc_loss(scores.reshape(_ROWS_TC, 128))
    return loss.reshape(())

# --- scband reference (transcript-rebuilt; emitter-appended) ---
"""Pipeline reference for scband-skip-gram-model-18622978195857 (READ-ONLY COPY).

The authoritative reference and input builder live on the scoring server;
editing this copy changes nothing except your own understanding.
"""

import jax, jax.numpy as jnp
import numpy as np

VOCAB = 1000000
DIM = 64
BATCH = 16384
N_NEG = 20


def setup_inputs(seed: int = 0) -> dict:
    key = jax.random.key(seed)
    k1, k2, k3, k4, k5 = jax.random.split(key, 5)
    center_words = jax.random.randint(k1, (BATCH,), 0, VOCAB, dtype=jnp.int64 if jax.config.jax_enable_x64 else jnp.int32).astype(jnp.int32)
    context_words = jax.random.randint(k2, (BATCH,), 0, VOCAB).astype(jnp.int32)
    negative_words = jax.random.randint(k3, (BATCH, N_NEG), 0, VOCAB).astype(jnp.int32)
    bound = 0.5 / DIM
    center_table = jax.random.uniform(k4, (VOCAB, DIM), minval=-bound, maxval=bound, dtype=jnp.float32)
    context_table = jax.random.uniform(k5, (VOCAB, DIM), minval=-bound, maxval=bound, dtype=jnp.float32)
    return {
        "center_words": center_words,
        "context_words": context_words,
        "negative_words": negative_words,
        "center_table": center_table,
        "context_table": context_table,
    }


def reference(center_words, context_words, negative_words, center_table, context_table):
    # Embedding lookups (gather)
    center_embeds = jnp.take(center_table, center_words, axis=0)        # [B, D]
    context_embeds = jnp.take(context_table, context_words, axis=0)     # [B, D]
    neg_embeds = jnp.take(context_table, negative_words, axis=0)        # [B, N, D]
    # Positive score: bmm([B,1,D] @ [B,D,1]) -> [B]
    pos_score = jnp.sum(context_embeds * center_embeds, axis=-1)        # [B]
    pos_score = jax.nn.log_sigmoid(pos_score)
    # Negative score: bmm([B,N,D] @ [B,D,1]) -> [B,N]
    neg_score = jnp.einsum("bnd,bd->bn", neg_embeds, center_embeds)     # [B, N]
    neg_score = jax.nn.log_sigmoid(-neg_score)
    loss = -jnp.mean(pos_score + jnp.sum(neg_score, axis=1))
    return loss

if __name__ == "__main__":
    import jax
    _d = setup_inputs()
    print(jax.jit(kernel)(*tuple(_d.values())))

</pallas_src>

<mosaic_0001>
#map = affine_map<(d0, d1) -> (0, 0, 0)>
#map1 = affine_map<(d0, d1) -> (0, 0)>
module attributes {stable_mosaic.version = 14 : i64} {
  func.func @_sc_scores(%arg0: i32, %arg1: i32, %arg2: memref<32x4x128xi32, #tpu.memory_space<hbm>>, %arg3: memref<32x84x128xi32, #tpu.memory_space<hbm>>, %arg4: memref<1000000x64xf32, #tpu.memory_space<hbm>>, %arg5: memref<1000000x64xf32, #tpu.memory_space<hbm>>, %arg6: memref<32x84x128xf32, #tpu.memory_space<hbm>>, %arg7: memref<4x128xi32, #tpu.memory_space<vmem>>, %arg8: memref<84x128xi32, #tpu.memory_space<vmem>>, %arg9: memref<512x64xf32, #tpu.memory_space<vmem>>, %arg10: memref<128x64xf32, #tpu.memory_space<vmem>>, %arg11: memref<84x128xf32, #tpu.memory_space<vmem>>, %arg12: memref<!tpu.dma_semaphore, #tpu.memory_space<semaphore_mem>>, %arg13: memref<!tpu.dma_semaphore, #tpu.memory_space<semaphore_mem>>) attributes {dimension_semantics = [#tpu.dimension_semantics<core_parallel>, #tpu.dimension_semantics<subcore_parallel>], iteration_bounds = array<i64: 2, 16>, scalar_prefetch = 0 : i64, scratch_operands = 7 : i64, tpu.core_type = #tpu.core_type<sc_vector_subcore>, window_params = [{transform_indices = #map}, {transform_indices = #map}, {transform_indices = #map1}, {transform_indices = #map1}, {transform_indices = #map}]} {
    %mul3A = arith.constant 2 : i32
    %mul3A_0 = arith.muli %arg1, %mul3A : i32
    %add3A = arith.addi %mul3A_0, %arg0 : i32
    "tpu.region"() ({
      %run_scoped3A = tpu.sem_alloc : memref<!tpu.dma_semaphore, #tpu.memory_space<semaphore_mem>>
      %dma_start3A_87 = arith.constant 0 : i32
      %dma_start3A_88 = arith.constant 0 : i32
      %dma_start3A_89 = tpu.memref_slice %arg2[%add3A, %dma_start3A_87, %dma_start3A_88] : memref<32x4x128xi32, #tpu.memory_space<hbm>> -> memref<1x4x128xi32, #tpu.memory_space<hbm>>
      %dma_start3A_90 = tpu.memref_squeeze %dma_start3A_89 : memref<1x4x128xi32, #tpu.memory_space<hbm>> -> memref<4x128xi32, #tpu.memory_space<hbm>>
      %dma_start3A_91 = arith.constant 0 : i32
      %dma_start3A_92 = arith.constant 0 : i32
      %dma_start3A_93 = tpu.memref_slice %arg2[%add3A, %dma_start3A_91, %dma_start3A_92] : memref<32x4x128xi32, #tpu.memory_space<hbm>> -> memref<1x4x128xi32, #tpu.memory_space<hbm>>
      %dma_start3A_94 = tpu.memref_squeeze %dma_start3A_93 : memref<1x4x128xi32, #tpu.memory_space<hbm>> -> memref<4x128xi32, #tpu.memory_space<hbm>>
      tpu.enqueue_dma source(%dma_start3A_94 : memref<4x128xi32, #tpu.memory_space<hbm>>) target(%arg7 : memref<4x128xi32, #tpu.memory_space<vmem>>) target_semaphore(%run_scoped3A : memref<!tpu.dma_semaphore, #tpu.memory_space<semaphore_mem>>)
      %dma_wait3A_95 = arith.constant 0 : i32
      %dma_wait3A_96 = arith.constant 0 : i32
      %dma_wait3A_97 = tpu.memref_slice %arg2[%add3A, %dma_wait3A_95, %dma_wait3A_96] : memref<32x4x128xi32, #tpu.memory_space<hbm>> -> memref<1x4x128xi32, #tpu.memory_space<hbm>>
      %dma_wait3A_98 = tpu.memref_squeeze %dma_wait3A_97 : memref<1x4x128xi32, #tpu.memory_space<hbm>> -> memref<4x128xi32, #tpu.memory_space<hbm>>
      %dma_wait3A_99 = arith.constant 0 : i32
      %dma_wait3A_100 = arith.constant 0 : i32
      %dma_wait3A_101 = tpu.memref_slice %arg2[%add3A, %dma_wait3A_99, %dma_wait3A_100] : memref<32x4x128xi32, #tpu.memory_space<hbm>> -> memref<1x4x128xi32, #tpu.memory_space<hbm>>
      %dma_wait3A_102 = tpu.memref_squeeze %dma_wait3A_101 : memref<1x4x128xi32, #tpu.memory_space<hbm>> -> memref<4x128xi32, #tpu.memory_space<hbm>>
      tpu.wait_dma2 semaphore(%run_scoped3A : memref<!tpu.dma_semaphore, #tpu.memory_space<semaphore_mem>>) src(%dma_wait3A_102 : memref<4x128xi32, #tpu.memory_space<hbm>>) dst(%arg7 : memref<4x128xi32, #tpu.memory_space<vmem>>)
      tpu.yield
    }) : () -> ()
    "tpu.region"() ({
      %run_scoped3A = tpu.sem_alloc : memref<!tpu.dma_semaphore, #tpu.memory_space<semaphore_mem>>
      %dma_start3A_87 = arith.constant 0 : i32
      %dma_start3A_88 = arith.constant 0 : i32
      %dma_start3A_89 = tpu.memref_slice %arg3[%add3A, %dma_start3A_87, %dma_start3A_88] : memref<32x84x128xi32, #tpu.memory_space<hbm>> -> memref<1x84x128xi32, #tpu.memory_space<hbm>>
      %dma_start3A_90 = tpu.memref_squeeze %dma_start3A_89 : memref<1x84x128xi32, #tpu.memory_space<hbm>> -> memref<84x128xi32, #tpu.memory_space<hbm>>
      %dma_start3A_91 = arith.constant 0 : i32
      %dma_start3A_92 = arith.constant 0 : i32
      %dma_start3A_93 = tpu.memref_slice %arg3[%add3A, %dma_start3A_91, %dma_start3A_92] : memref<32x84x128xi32, #tpu.memory_space<hbm>> -> memref<1x84x128xi32, #tpu.memory_space<hbm>>
      %dma_start3A_94 = tpu.memref_squeeze %dma_start3A_93 : memref<1x84x128xi32, #tpu.memory_space<hbm>> -> memref<84x128xi32, #tpu.memory_space<hbm>>
      tpu.enqueue_dma source(%dma_start3A_94 : memref<84x128xi32, #tpu.memory_space<hbm>>) target(%arg8 : memref<84x128xi32, #tpu.memory_space<vmem>>) target_semaphore(%run_scoped3A : memref<!tpu.dma_semaphore, #tpu.memory_space<semaphore_mem>>)
      %dma_wait3A_95 = arith.constant 0 : i32
      %dma_wait3A_96 = arith.constant 0 : i32
      %dma_wait3A_97 = tpu.memref_slice %arg3[%add3A, %dma_wait3A_95, %dma_wait3A_96] : memref<32x84x128xi32, #tpu.memory_space<hbm>> -> memref<1x84x128xi32, #tpu.memory_space<hbm>>
      %dma_wait3A_98 = tpu.memref_squeeze %dma_wait3A_97 : memref<1x84x128xi32, #tpu.memory_space<hbm>> -> memref<84x128xi32, #tpu.memory_space<hbm>>
      %dma_wait3A_99 = arith.constant 0 : i32
      %dma_wait3A_100 = arith.constant 0 : i32
      %dma_wait3A_101 = tpu.memref_slice %arg3[%add3A, %dma_wait3A_99, %dma_wait3A_100] : memref<32x84x128xi32, #tpu.memory_space<hbm>> -> memref<1x84x128xi32, #tpu.memory_space<hbm>>
      %dma_wait3A_102 = tpu.memref_squeeze %dma_wait3A_101 : memref<1x84x128xi32, #tpu.memory_space<hbm>> -> memref<84x128xi32, #tpu.memory_space<hbm>>
      tpu.wait_dma2 semaphore(%run_scoped3A : memref<!tpu.dma_semaphore, #tpu.memory_space<semaphore_mem>>) src(%dma_wait3A_102 : memref<84x128xi32, #tpu.memory_space<hbm>>) dst(%arg8 : memref<84x128xi32, #tpu.memory_space<vmem>>)
      tpu.yield
    }) : () -> ()
    %dma_start3A = arith.constant 0 : i32
    %dma_start3A_1 = arith.constant 0 : i32
    %dma_start3A_2 = arith.constant 0 : i32
    %dma_start3A_3 = tpu.memref_slice %arg9[%dma_start3A_1, %dma_start3A_2] : memref<512x64xf32, #tpu.memory_space<vmem>> -> memref<128x64xf32, #tpu.memory_space<vmem>>
    %dma_start3A_4 = arith.constant 0 : i32
    %dma_start3A_5 = tpu.memref_slice %arg7[%dma_start3A, %dma_start3A_4] : memref<4x128xi32, #tpu.memory_space<vmem>> -> memref<1x128xi32, #tpu.memory_space<vmem>>
    %dma_start3A_6 = tpu.memref_squeeze %dma_start3A_5 : memref<1x128xi32, #tpu.memory_space<vmem>> -> memref<128xi32, #tpu.memory_space<vmem>>
    %dma_start3A_7 = arith.constant 0 : i32
    %dma_start3A_8 = arith.constant 0 : i32
    %dma_start3A_9 = tpu.memref_slice %arg4[%dma_start3A_7, %dma_start3A_8] : memref<1000000x64xf32, #tpu.memory_space<hbm>> -> memref<1000000x64xf32, #tpu.memory_space<hbm>>
    tpu.enqueue_indirect_dma source(%dma_start3A_9 : memref<1000000x64xf32, #tpu.memory_space<hbm>>) target(%dma_start3A_3 : memref<128x64xf32, #tpu.memory_space<vmem>>) offsets(%dma_start3A_6 : memref<128xi32, #tpu.memory_space<vmem>>) semaphore(%arg12 : memref<!tpu.dma_semaphore, #tpu.memory_space<semaphore_mem>>)
    %dma_wait3A = arith.constant 0 : i32
    %dma_wait3A_10 = arith.constant 0 : i32
    %dma_wait3A_11 = arith.constant 0 : i32
    %dma_wait3A_12 = tpu.memref_slice %arg9[%dma_wait3A_10, %dma_wait3A_11] : memref<512x64xf32, #tpu.memory_space<vmem>> -> memref<128x64xf32, #tpu.memory_space<vmem>>
    %dma_wait3A_13 = arith.constant 0 : i32
    %dma_wait3A_14 = tpu.memref_slice %arg7[%dma_wait3A, %dma_wait3A_13] : memref<4x128xi32, #tpu.memory_space<vmem>> -> memref<1x128xi32, #tpu.memory_space<vmem>>
    %dma_wait3A_15 = tpu.memref_squeeze %dma_wait3A_14 : memref<1x128xi32, #tpu.memory_space<vmem>> -> memref<128xi32, #tpu.memory_space<vmem>>
    %dma_wait3A_16 = arith.constant 0 : i32
    %dma_wait3A_17 = arith.constant 0 : i32
    %dma_wait3A_18 = tpu.memref_slice %arg4[%dma_wait3A_16, %dma_wait3A_17] : memref<1000000x64xf32, #tpu.memory_space<hbm>> -> memref<1000000x64xf32, #tpu.memory_space<hbm>>
    tpu.wait_indirect_dma semaphore(%arg12 : memref<!tpu.dma_semaphore, #tpu.memory_space<semaphore_mem>>) src(%dma_wait3A_18 : memref<1000000x64xf32, #tpu.memory_space<hbm>>) dst(%dma_wait3A_12 : memref<128x64xf32, #tpu.memory_space<vmem>>)
    %dma_start3A_19 = arith.constant 1 : i32
    %dma_start3A_20 = arith.constant 128 : i32
    %dma_start3A_21 = arith.constant 0 : i32
    %dma_start3A_22 = tpu.memref_slice %arg9[%dma_start3A_20, %dma_start3A_21] : memref<512x64xf32, #tpu.memory_space<vmem>> -> memref<128x64xf32, #tpu.memory_space<vmem>>
    %dma_start3A_23 = arith.constant 0 : i32
    %dma_start3A_24 = tpu.memref_slice %arg7[%dma_start3A_19, %dma_start3A_23] : memref<4x128xi32, #tpu.memory_space<vmem>> -> memref<1x128xi32, #tpu.memory_space<vmem>>
    %dma_start3A_25 = tpu.memref_squeeze %dma_start3A_24 : memref<1x128xi32, #tpu.memory_space<vmem>> -> memref<128xi32, #tpu.memory_space<vmem>>
    %dma_start3A_26 = arith.constant 0 : i32
    %dma_start3A_27 = arith.constant 0 : i32
    %dma_start3A_28 = tpu.memref_slice %arg4[%dma_start3A_26, %dma_start3A_27] : memref<1000000x64xf32, #tpu.memory_space<hbm>> -> memref<1000000x64xf32, #tpu.memory_space<hbm>>
    tpu.enqueue_indirect_dma source(%dma_start3A_28 : memref<1000000x64xf32, #tpu.memory_space<hbm>>) target(%dma_start3A_22 : memref<128x64xf32, #tpu.memory_space<vmem>>) offsets(%dma_start3A_25 : memref<128xi32, #tpu.memory_space<vmem>>) semaphore(%arg12 : memref<!tpu.dma_semaphore, #tpu.memory_space<semaphore_mem>>)
    %dma_wait3A_29 = arith.constant 1 : i32
    %dma_wait3A_30 = arith.constant 128 : i32
    %dma_wait3A_31 = arith.constant 0 : i32
    %dma_wait3A_32 = tpu.memref_slice %arg9[%dma_wait3A_30, %dma_wait3A_31] : memref<512x64xf32, #tpu.memory_space<vmem>> -> memref<128x64xf32, #tpu.memory_space<vmem>>
    %dma_wait3A_33 = arith.constant 0 : i32
    %dma_wait3A_34 = tpu.memref_slice %arg7[%dma_wait3A_29, %dma_wait3A_33] : memref<4x128xi32, #tpu.memory_space<vmem>> -> memref<1x128xi32, #tpu.memory_space<vmem>>
    %dma_wait3A_35 = tpu.memref_squeeze %dma_wait3A_34 : memref<1x128xi32, #tpu.memory_space<vmem>> -> memref<128xi32, #tpu.memory_space<vmem>>
    %dma_wait3A_36 = arith.constant 0 : i32
    %dma_wait3A_37 = arith.constant 0 : i32
    %dma_wait3A_38 = tpu.memref_slice %arg4[%dma_wait3A_36, %dma_wait3A_37] : memref<1000000x64xf32, #tpu.memory_space<hbm>> -> memref<1000000x64xf32, #tpu.memory_space<hbm>>
    tpu.wait_indirect_dma semaphore(%arg12 : memref<!tpu.dma_semaphore, #tpu.memory_space<semaphore_mem>>) src(%dma_wait3A_38 : memref<1000000x64xf32, #tpu.memory_space<hbm>>) dst(%dma_wait3A_32 : memref<128x64xf32, #tpu.memory_space<vmem>>)
    %dma_start3A_39 = arith.constant 2 : i32
    %dma_start3A_40 = arith.constant 256 : i32
    %dma_start3A_41 = arith.constant 0 : i32
    %dma_start3A_42 = tpu.memref_slice %arg9[%dma_start3A_40, %dma_start3A_41] : memref<512x64xf32, #tpu.memory_space<vmem>> -> memref<128x64xf32, #tpu.memory_space<vmem>>
    %dma_start3A_43 = arith.constant 0 : i32
    %dma_start3A_44 = tpu.memref_slice %arg7[%dma_start3A_39, %dma_start3A_43] : memref<4x128xi32, #tpu.memory_space<vmem>> -> memref<1x128xi32, #tpu.memory_space<vmem>>
    %dma_start3A_45 = tpu.memref_squeeze %dma_start3A_44 : memref<1x128xi32, #tpu.memory_space<vmem>> -> memref<128xi32, #tpu.memory_space<vmem>>
    %dma_start3A_46 = arith.constant 0 : i32
    %dma_start3A_47 = arith.constant 0 : i32
    %dma_start3A_48 = tpu.memref_slice %arg4[%dma_start3A_46, %dma_start3A_47] : memref<1000000x64xf32, #tpu.memory_space<hbm>> -> memref<1000000x64xf32, #tpu.memory_space<hbm>>
    tpu.enqueue_indirect_dma source(%dma_start3A_48 : memref<1000000x64xf32, #tpu.memory_space<hbm>>) target(%dma_start3A_42 : memref<128x64xf32, #tpu.memory_space<vmem>>) offsets(%dma_start3A_45 : memref<128xi32, #tpu.memory_space<vmem>>) semaphore(%arg12 : memref<!tpu.dma_semaphore, #tpu.memory_space<semaphore_mem>>)
    %dma_wait3A_49 = arith.constant 2 : i32
    %dma_wait3A_50 = arith.constant 256 : i32
    %dma_wait3A_51 = arith.constant 0 : i32
    %dma_wait3A_52 = tpu.memref_slice %arg9[%dma_wait3A_50, %dma_wait3A_51] : memref<512x64xf32, #tpu.memory_space<vmem>> -> memref<128x64xf32, #tpu.memory_space<vmem>>
    %dma_wait3A_53 = arith.constant 0 : i32
    %dma_wait3A_54 = tpu.memref_slice %arg7[%dma_wait3A_49, %dma_wait3A_53] : memref<4x128xi32, #tpu.memory_space<vmem>> -> memref<1x128xi32, #tpu.memory_space<vmem>>
    %dma_wait3A_55 = tpu.memref_squeeze %dma_wait3A_54 : memref<1x128xi32, #tpu.memory_space<vmem>> -> memref<128xi32, #tpu.memory_space<vmem>>
    %dma_wait3A_56 = arith.constant 0 : i32
    %dma_wait3A_57 = arith.constant 0 : i32
    %dma_wait3A_58 = tpu.memref_slice %arg4[%dma_wait3A_56, %dma_wait3A_57] : memref<1000000x64xf32, #tpu.memory_space<hbm>> -> memref<1000000x64xf32, #tpu.memory_space<hbm>>
    tpu.wait_indirect_dma semaphore(%arg12 : memref<!tpu.dma_semaphore, #tpu.memory_space<semaphore_mem>>) src(%dma_wait3A_58 : memref<1000000x64xf32, #tpu.memory_space<hbm>>) dst(%dma_wait3A_52 : memref<128x64xf32, #tpu.memory_space<vmem>>)
    %dma_start3A_59 = arith.constant 3 : i32
    %dma_start3A_60 = arith.constant 384 : i32
    %dma_start3A_61 = arith.constant 0 : i32
    %dma_start3A_62 = tpu.memref_slice %arg9[%dma_start3A_60, %dma_start3A_61] : memref<512x64xf32, #tpu.memory_space<vmem>> -> memref<128x64xf32, #tpu.memory_space<vmem>>
    %dma_start3A_63 = arith.constant 0 : i32
    %dma_start3A_64 = tpu.memref_slice %arg7[%dma_start3A_59, %dma_start3A_63] : memref<4x128xi32, #tpu.memory_space<vmem>> -> memref<1x128xi32, #tpu.memory_space<vmem>>
    %dma_start3A_65 = tpu.memref_squeeze %dma_start3A_64 : memref<1x128xi32, #tpu.memory_space<vmem>> -> memref<128xi32, #tpu.memory_space<vmem>>
    %dma_start3A_66 = arith.constant 0 : i32
    %dma_start3A_67 = arith.constant 0 : i32
    %dma_start3A_68 = tpu.memref_slice %arg4[%dma_start3A_66, %dma_start3A_67] : memref<1000000x64xf32, #tpu.memory_space<hbm>> -> memref<1000000x64xf32, #tpu.memory_space<hbm>>
    tpu.enqueue_indirect_dma source(%dma_start3A_68 : memref<1000000x64xf32, #tpu.memory_space<hbm>>) target(%dma_start3A_62 : memref<128x64xf32, #tpu.memory_space<vmem>>) offsets(%dma_start3A_65 : memref<128xi32, #tpu.memory_space<vmem>>) semaphore(%arg12 : memref<!tpu.dma_semaphore, #tpu.memory_space<semaphore_mem>>)
    %dma_wait3A_69 = arith.constant 3 : i32
    %dma_wait3A_70 = arith.constant 384 : i32
    %dma_wait3A_71 = arith.constant 0 : i32
    %dma_wait3A_72 = tpu.memref_slice %arg9[%dma_wait3A_70, %dma_wait3A_71] : memref<512x64xf32, #tpu.memory_space<vmem>> -> memref<128x64xf32, #tpu.memory_space<vmem>>
    %dma_wait3A_73 = arith.constant 0 : i32
    %dma_wait3A_74 = tpu.memref_slice %arg7[%dma_wait3A_69, %dma_wait3A_73] : memref<4x128xi32, #tpu.memory_space<vmem>> -> memref<1x128xi32, #tpu.memory_space<vmem>>
    %dma_wait3A_75 = tpu.memref_squeeze %dma_wait3A_74 : memref<1x128xi32, #tpu.memory_space<vmem>> -> memref<128xi32, #tpu.memory_space<vmem>>
    %dma_wait3A_76 = arith.constant 0 : i32
    %dma_wait3A_77 = arith.constant 0 : i32
    %dma_wait3A_78 = tpu.memref_slice %arg4[%dma_wait3A_76, %dma_wait3A_77] : memref<1000000x64xf32, #tpu.memory_space<hbm>> -> memref<1000000x64xf32, #tpu.memory_space<hbm>>
    tpu.wait_indirect_dma semaphore(%arg12 : memref<!tpu.dma_semaphore, #tpu.memory_space<semaphore_mem>>) src(%dma_wait3A_78 : memref<1000000x64xf32, #tpu.memory_space<hbm>>) dst(%dma_wait3A_72 : memref<128x64xf32, #tpu.memory_space<vmem>>)
    %iota3A = tpu.iota {dimensions = array<i32: 0>} : vector<16xi32>
    %broadcast_in_dim3A = arith.constant 0.000000e+00 : f32
    %broadcast_in_dim3A_79 = vector.broadcast %broadcast_in_dim3A : f32 to vector<16xf32>
    %scan3A = arith.constant 0 : i32
    %scan3A_80 = arith.constant 0 : i32
    %scan3A_81 = arith.constant 0 : i32
    %scan3A_82 = arith.constant 84 : i32
    %scan3A_83 = arith.addi %scan3A_81, %scan3A_82 : i32
    %scan3A_84 = arith.constant 1 : i32
    %scan3A_85:2 = scf.for %scan3A_87 = %scan3A_81 to %scan3A_83 step %scan3A_84 iter_args(%scan3A_88 = %scan3A, %scan3A_89 = %scan3A_80) -> (i32, i32)  : i32 {
      %dma_start3A_90 = arith.constant 0 : i32
      %dma_start3A_91 = tpu.memref_slice %arg8[%scan3A_87, %dma_start3A_90] : memref<84x128xi32, #tpu.memory_space<vmem>> -> memref<1x128xi32, #tpu.memory_space<vmem>>
      %dma_start3A_92 = tpu.memref_squeeze %dma_start3A_91 : memref<1x128xi32, #tpu.memory_space<vmem>> -> memref<128xi32, #tpu.memory_space<vmem>>
      %dma_start3A_93 = arith.constant 0 : i32
      %dma_start3A_94 = arith.constant 0 : i32
      %dma_start3A_95 = tpu.memref_slice %arg5[%dma_start3A_93, %dma_start3A_94] : memref<1000000x64xf32, #tpu.memory_space<hbm>> -> memref<1000000x64xf32, #tpu.memory_space<hbm>>
      tpu.enqueue_indirect_dma source(%dma_start3A_95 : memref<1000000x64xf32, #tpu.memory_space<hbm>>) target(%arg10 : memref<128x64xf32, #tpu.memory_space<vmem>>) offsets(%dma_start3A_92 : memref<128xi32, #tpu.memory_space<vmem>>) semaphore(%arg13 : memref<!tpu.dma_semaphore, #tpu.memory_space<semaphore_mem>>)
      %dma_wait3A_96 = arith.constant 0 : i32
      %dma_wait3A_97 = tpu.memref_slice %arg8[%scan3A_87, %dma_wait3A_96] : memref<84x128xi32, #tpu.memory_space<vmem>> -> memref<1x128xi32, #tpu.memory_space<vmem>>
      %dma_wait3A_98 = tpu.memref_squeeze %dma_wait3A_97 : memref<1x128xi32, #tpu.memory_space<vmem>> -> memref<128xi32, #tpu.memory_space<vmem>>
      %dma_wait3A_99 = arith.constant 0 : i32
      %dma_wait3A_100 = arith.constant 0 : i32
      %dma_wait3A_101 = tpu.memref_slice %arg5[%dma_wait3A_99, %dma_wait3A_100] : memref<1000000x64xf32, #tpu.memory_space<hbm>> -> memref<1000000x64xf32, #tpu.memory_space<hbm>>
      tpu.wait_indirect_dma semaphore(%arg13 : memref<!tpu.dma_semaphore, #tpu.memory_space<semaphore_mem>>) src(%dma_wait3A_101 : memref<1000000x64xf32, #tpu.memory_space<hbm>>) dst(%arg10 : memref<128x64xf32, #tpu.memory_space<vmem>>)
      %scan3A_102 = arith.constant 0 : i32
      %scan3A_103 = arith.constant 8 : i32
      %scan3A_104 = arith.addi %scan3A_102, %scan3A_103 : i32
      %scan3A_105 = arith.constant 1 : i32
      %scan3A_106:2 = scf.for %scan3A_108 = %scan3A_102 to %scan3A_104 step %scan3A_105 iter_args(%scan3A_109 = %scan3A_88, %scan3A_110 = %scan3A_89) -> (i32, i32)  : i32 {
        %scan3A_111 = arith.constant 0 : i32
        %scan3A_112 = arith.constant 16 : i32
        %scan3A_113 = arith.addi %scan3A_111, %scan3A_112 : i32
        %scan3A_114 = arith.constant 1 : i32
        %scan3A_115:3 = scf.for %scan3A_123 = %scan3A_111 to %scan3A_113 step %scan3A_114 iter_args(%scan3A_124 = %broadcast_in_dim3A_79, %scan3A_125 = %scan3A_109, %scan3A_126 = %scan3A_110) -> (vector<16xf32>, i32, i32)  : i32 {
          %mul3A_127 = arith.constant 16 : i32
          %mul3A_128 = arith.muli %scan3A_108, %mul3A_127 : i32
          %add3A_129 = arith.addi %mul3A_128, %scan3A_123 : i32
          %get3A = arith.index_cast %scan3A_125 : i32 to index
          %get3A_130 = arith.constant 0 : index
          %get3A_131 = tpu.vector_load %arg9[%get3A, %get3A_130] {strides = array<i32>} : memref<512x64xf32, #tpu.memory_space<vmem>>, vector<1x16xf32>,
          %get3A_132 = vector.shape_cast %get3A_131 : vector<1x16xf32> to vector<16xf32>
          %get3A_133 = arith.index_cast %scan3A_125 : i32 to index
          %get3A_134 = arith.constant 16 : index
          %get3A_135 = tpu.vector_load %arg9[%get3A_133, %get3A_134] {strides = array<i32>} : memref<512x64xf32, #tpu.memory_space<vmem>>, vector<1x16xf32>,
          %get3A_136 = vector.shape_cast %get3A_135 : vector<1x16xf32> to vector<16xf32>
          %get3A_137 = arith.index_cast %scan3A_125 : i32 to index
          %get3A_138 = arith.constant 32 : index
          %get3A_139 = tpu.vector_load %arg9[%get3A_137, %get3A_138] {strides = array<i32>} : memref<512x64xf32, #tpu.memory_space<vmem>>, vector<1x16xf32>,
          %get3A_140 = vector.shape_cast %get3A_139 : vector<1x16xf32> to vector<16xf32>
          %get3A_141 = arith.index_cast %scan3A_125 : i32 to index
          %get3A_142 = arith.constant 48 : index
          %get3A_143 = tpu.vector_load %arg9[%get3A_141, %get3A_142] {strides = array<i32>} : memref<512x64xf32, #tpu.memory_space<vmem>>, vector<1x16xf32>,
          %get3A_144 = vector.shape_cast %get3A_143 : vector<1x16xf32> to vector<16xf32>
          %get3A_145 = arith.index_cast %add3A_129 : i32 to index
          %get3A_146 = arith.constant 0 : index
          %get3A_147 = tpu.vector_load %arg10[%get3A_145, %get3A_146] {strides = array<i32>} : memref<128x64xf32, #tpu.memory_space<vmem>>, vector<1x16xf32>,
          %get3A_148 = vector.shape_cast %get3A_147 : vector<1x16xf32> to vector<16xf32>
          %get3A_149 = arith.index_cast %add3A_129 : i32 to index
          %get3A_150 = arith.constant 16 : index
          %get3A_151 = tpu.vector_load %arg10[%get3A_149, %get3A_150] {strides = array<i32>} : memref<128x64xf32, #tpu.memory_space<vmem>>, vector<1x16xf32>,
          %get3A_152 = vector.shape_cast %get3A_151 : vector<1x16xf32> to vector<16xf32>
          %get3A_153 = arith.index_cast %add3A_129 : i32 to index
          %get3A_154 = arith.constant 32 : index
          %get3A_155 = tpu.vector_load %arg10[%get3A_153, %get3A_154] {strides = array<i32>} : memref<128x64xf32, #tpu.memory_space<vmem>>, vector<1x16xf32>,
          %get3A_156 = vector.shape_cast %get3A_155 : vector<1x16xf32> to vector<16xf32>
          %get3A_157 = arith.index_cast %add3A_129 : i32 to index
          %get3A_158 = arith.constant 48 : index
          %get3A_159 = tpu.vector_load %arg10[%get3A_157, %get3A_158] {strides = array<i32>} : memref<128x64xf32, #tpu.memory_space<vmem>>, vector<1x16xf32>,
          %get3A_160 = vector.shape_cast %get3A_159 : vector<1x16xf32> to vector<16xf32>
          %mul3A_161 = arith.mulf %get3A_132, %get3A_148 : vector<16xf32>
          %mul3A_162 = arith.mulf %get3A_136, %get3A_152 : vector<16xf32>
          %add3A_163 = arith.addf %mul3A_161, %mul3A_162 : vector<16xf32>
          %mul3A_164 = arith.mulf %get3A_140, %get3A_156 : vector<16xf32>
          %add3A_165 = arith.addf %add3A_163, %mul3A_164 : vector<16xf32>
          %mul3A_166 = arith.mulf %get3A_144, %get3A_160 : vector<16xf32>
          %add3A_167 = arith.addf %add3A_165, %mul3A_166 : vector<16xf32>
          %xor3A = arith.constant 8 : i32
          %xor3A_168 = vector.broadcast %xor3A : i32 to vector<16xi32>
          %xor3A_169 = arith.xori %iota3A, %xor3A_168 : vector<16xi32>
          %lt3A = arith.constant 0 : i32
          %lt3A_170 = vector.broadcast %lt3A : i32 to vector<16xi32>
          %lt3A_171 = arith.cmpi slt, %xor3A_169, %lt3A_170 : vector<16xi32>
          %add3A_172 = arith.constant 16 : i32
          %add3A_173 = vector.broadcast %add3A_172 : i32 to vector<16xi32>
          %add3A_174 = arith.addi %xor3A_169, %add3A_173 : vector<16xi32>
          %select_n3A = arith.select %lt3A_171, %add3A_174, %xor3A_169 : vector<16xi1>, vector<16xi32>
          %broadcast_in_dim3A_175 = vector.shape_cast %select_n3A : vector<16xi32> to vector<16x1xi32>
          %gather3A = vector.shape_cast %broadcast_in_dim3A_175 : vector<16x1xi32> to vector<16xi32>
          %gather3A_176 = tpu.dynamic_gather %add3A_167[%gather3A] in [0] : vector<16xf32>, vector<16xi32> -> vector<16xf32>
          %add3A_177 = arith.addf %add3A_167, %gather3A_176 : vector<16xf32>
          %xor3A_178 = arith.constant 4 : i32
          %xor3A_179 = vector.broadcast %xor3A_178 : i32 to vector<16xi32>
          %xor3A_180 = arith.xori %iota3A, %xor3A_179 : vector<16xi32>
          %lt3A_181 = arith.constant 0 : i32
          %lt3A_182 = vector.broadcast %lt3A_181 : i32 to vector<16xi32>
          %lt3A_183 = arith.cmpi slt, %xor3A_180, %lt3A_182 : vector<16xi32>
          %add3A_184 = arith.constant 16 : i32
          %add3A_185 = vector.broadcast %add3A_184 : i32 to vector<16xi32>
          %add3A_186 = arith.addi %xor3A_180, %add3A_185 : vector<16xi32>
          %select_n3A_187 = arith.select %lt3A_183, %add3A_186, %xor3A_180 : vector<16xi1>, vector<16xi32>
          %broadcast_in_dim3A_188 = vector.shape_cast %select_n3A_187 : vector<16xi32> to vector<16x1xi32>
          %gather3A_189 = vector.shape_cast %broadcast_in_dim3A_188 : vector<16x1xi32> to vector<16xi32>
          %gather3A_190 = tpu.dynamic_gather %add3A_177[%gather3A_189] in [0] : vector<16xf32>, vector<16xi32> -> vector<16xf32>
          %add3A_191 = arith.addf %add3A_177, %gather3A_190 : vector<16xf32>
          %xor3A_192 = arith.constant 2 : i32
          %xor3A_193 = vector.broadcast %xor3A_192 : i32 to vector<16xi32>
          %xor3A_194 = arith.xori %iota3A, %xor3A_193 : vector<16xi32>
          %lt3A_195 = arith.constant 0 : i32
          %lt3A_196 = vector.broadcast %lt3A_195 : i32 to vector<16xi32>
          %lt3A_197 = arith.cmpi slt, %xor3A_194, %lt3A_196 : vector<16xi32>
          %add3A_198 = arith.constant 16 : i32
          %add3A_199 = vector.broadcast %add3A_198 : i32 to vector<16xi32>
          %add3A_200 = arith.addi %xor3A_194, %add3A_199 : vector<16xi32>
          %select_n3A_201 = arith.select %lt3A_197, %add3A_200, %xor3A_194 : vector<16xi1>, vector<16xi32>
          %broadcast_in_dim3A_202 = vector.shape_cast %select_n3A_201 : vector<16xi32> to vector<16x1xi32>
          %gather3A_203 = vector.shape_cast %broadcast_in_dim3A_202 : vector<16x1xi32> to vector<16xi32>
          %gather3A_204 = tpu.dynamic_gather %add3A_191[%gather3A_203] in [0] : vector<16xf32>, vector<16xi32> -> vector<16xf32>
          %add3A_205 = arith.addf %add3A_191, %gather3A_204 : vector<16xf32>
          %xor3A_206 = arith.constant 1 : i32
          %xor3A_207 = vector.broadcast %xor3A_206 : i32 to vector<16xi32>
          %xor3A_208 = arith.xori %iota3A, %xor3A_207 : vector<16xi32>
          %lt3A_209 = arith.constant 0 : i32
          %lt3A_210 = vector.broadcast %lt3A_209 : i32 to vector<16xi32>
          %lt3A_211 = arith.cmpi slt, %xor3A_208, %lt3A_210 : vector<16xi32>
          %add3A_212 = arith.constant 16 : i32
          %add3A_213 = vector.broadcast %add3A_212 : i32 to vector<16xi32>
          %add3A_214 = arith.addi %xor3A_208, %add3A_213 : vector<16xi32>
          %select_n3A_215 = arith.select %lt3A_211, %add3A_214, %xor3A_208 : vector<16xi1>, vector<16xi32>
          %broadcast_in_dim3A_216 = vector.shape_cast %select_n3A_215 : vector<16xi32> to vector<16x1xi32>
          %gather3A_217 = vector.shape_cast %broadcast_in_dim3A_216 : vector<16x1xi32> to vector<16xi32>
          %gather3A_218 = tpu.dynamic_gather %add3A_205[%gather3A_217] in [0] : vector<16xf32>, vector<16xi32> -> vector<16xf32>
          %add3A_219 = arith.addf %add3A_205, %gather3A_218 : vector<16xf32>
          %eq3A = vector.broadcast %scan3A_123 : i32 to vector<16xi32>
          %eq3A_220 = arith.cmpi eq, %iota3A, %eq3A : vector<16xi32>
          %select_n3A_221 = arith.select %eq3A_220, %add3A_219, %scan3A_124 : vector<16xi1>, vector<16xf32>
          %add3A_222 = arith.constant 1 : i32
          %add3A_223 = arith.addi %scan3A_126, %add3A_222 : i32
          %ge3A = arith.constant 21 : i32
          %ge3A_224 = arith.cmpi sge, %add3A_223, %ge3A : i32
          %convert_element_type3A = arith.extui %ge3A_224 : i1 to i32
          %add3A_225 = arith.addi %scan3A_125, %convert_element_type3A : i32
          %jit3A = arith.constant 0 : i32
          %select_n3A_226 = arith.select %ge3A_224, %jit3A, %add3A_223 : i32
          scf.yield %select_n3A_221, %add3A_225, %select_n3A_226 : vector<16xf32>, i32, i32
        }
        %scan3A_116 = arith.constant 16 : i32
        %mul3A_117 = arith.constant 16 : i32
        %mul3A_118 = arith.muli %scan3A_108, %mul3A_117 : i32
        %swap3A = arith.index_cast %scan3A_87 : i32 to index
        %swap3A_119 = arith.index_cast %mul3A_118 : i32 to index
        %swap3A_120 = tpu.vector_load %arg11[%swap3A, %swap3A_119] {strides = array<i32>} : memref<84x128xf32, #tpu.memory_space<vmem>>, vector<1x16xf32>,
        %swap3A_121 = vector.shape_cast %swap3A_120 : vector<1x16xf32> to vector<16xf32>
        %swap3A_122 = vector.shape_cast %scan3A_115#0 : vector<16xf32> to vector<1x16xf32>
        tpu.vector_store %arg11[%swap3A, %swap3A_119], %swap3A_122 {strides = array<i32>} : memref<84x128xf32, #tpu.memory_space<vmem>>, vector<1x16xf32>,
        scf.yield %scan3A_115#1, %scan3A_115#2 : i32, i32
      }
      %scan3A_107 = arith.constant 8 : i32
      scf.yield %scan3A_106#0, %scan3A_106#1 : i32, i32
    }
    %scan3A_86 = arith.constant 84 : i32
    "tpu.region"() ({
      %run_scoped3A = tpu.sem_alloc : memref<!tpu.dma_semaphore, #tpu.memory_space<semaphore_mem>>
      %dma_start3A_87 = arith.constant 0 : i32
      %dma_start3A_88 = arith.constant 0 : i32
      %dma_start3A_89 = tpu.memref_slice %arg6[%add3A, %dma_start3A_87, %dma_start3A_88] : memref<32x84x128xf32, #tpu.memory_space<hbm>> -> memref<1x84x128xf32, #tpu.memory_space<hbm>>
      %dma_start3A_90 = tpu.memref_squeeze %dma_start3A_89 : memref<1x84x128xf32, #tpu.memory_space<hbm>> -> memref<84x128xf32, #tpu.memory_space<hbm>>
      %dma_start3A_91 = arith.constant 0 : i32
      %dma_start3A_92 = arith.constant 0 : i32
      %dma_start3A_93 = tpu.memref_slice %arg6[%add3A, %dma_start3A_91, %dma_start3A_92] : memref<32x84x128xf32, #tpu.memory_space<hbm>> -> memref<1x84x128xf32, #tpu.memory_space<hbm>>
      %dma_start3A_94 = tpu.memref_squeeze %dma_start3A_93 : memref<1x84x128xf32, #tpu.memory_space<hbm>> -> memref<84x128xf32, #tpu.memory_space<hbm>>
      tpu.enqueue_dma source(%arg11 : memref<84x128xf32, #tpu.memory_space<vmem>>) target(%dma_start3A_94 : memref<84x128xf32, #tpu.memory_space<hbm>>) target_semaphore(%run_scoped3A : memref<!tpu.dma_semaphore, #tpu.memory_space<semaphore_mem>>)
      %dma_wait3A_95 = arith.constant 0 : i32
      %dma_wait3A_96 = arith.constant 0 : i32
      %dma_wait3A_97 = tpu.memref_slice %arg6[%add3A, %dma_wait3A_95, %dma_wait3A_96] : memref<32x84x128xf32, #tpu.memory_space<hbm>> -> memref<1x84x128xf32, #tpu.memory_space<hbm>>
      %dma_wait3A_98 = tpu.memref_squeeze %dma_wait3A_97 : memref<1x84x128xf32, #tpu.memory_space<hbm>> -> memref<84x128xf32, #tpu.memory_space<hbm>>
      %dma_wait3A_99 = arith.constant 0 : i32
      %dma_wait3A_100 = arith.constant 0 : i32
      %dma_wait3A_101 = tpu.memref_slice %arg6[%add3A, %dma_wait3A_99, %dma_wait3A_100] : memref<32x84x128xf32, #tpu.memory_space<hbm>> -> memref<1x84x128xf32, #tpu.memory_space<hbm>>
      %dma_wait3A_102 = tpu.memref_squeeze %dma_wait3A_101 : memref<1x84x128xf32, #tpu.memory_space<hbm>> -> memref<84x128xf32, #tpu.memory_space<hbm>>
      tpu.wait_dma2 semaphore(%run_scoped3A : memref<!tpu.dma_semaphore, #tpu.memory_space<semaphore_mem>>) src(%arg11 : memref<84x128xf32, #tpu.memory_space<vmem>>) dst(%dma_wait3A_102 : memref<84x128xf32, #tpu.memory_space<hbm>>)
      tpu.yield
    }) : () -> ()
    return
  }
}

module attributes {stable_mosaic.version = 14 : i64} {
  func.func @_tc_loss_body(%arg0: memref<2688x128xf32, #tpu.memory_space<vmem>>, %arg1: memref<1x1xf32, #tpu.memory_space<smem>>) attributes {dimension_semantics = [], scalar_prefetch = 0 : i64, scratch_operands = 0 : i64, tpu.core_type = #tpu.core_type<tc>} {
    %get3A = arith.constant 0 : index
    %get3A_0 = arith.constant 0 : index
    %get3A_1 = vector.load %arg0[%get3A, %get3A_0] : memref<2688x128xf32, #tpu.memory_space<vmem>>, vector<2688x128xf32>
    %iota3A = tpu.iota {dimensions = array<i32: 0>} : vector<2688x128xi32>
    %mul3A = arith.constant 128 : i32
    %mul3A_2 = vector.broadcast %mul3A : i32 to vector<2688x128xi32>
    %mul3A_3 = arith.muli %iota3A, %mul3A_2 : vector<2688x128xi32>
    %iota3A_4 = tpu.iota {dimensions = array<i32: 1>} : vector<2688x128xi32>
    %add3A = arith.addi %mul3A_3, %iota3A_4 : vector<2688x128xi32>
    %rem3A = arith.constant 21 : i32
    %rem3A_5 = vector.broadcast %rem3A : i32 to vector<2688x128xi32>
    %rem3A_6 = arith.remsi %add3A, %rem3A_5 : vector<2688x128xi32>
    %eq3A = arith.constant 0 : i32
    %eq3A_7 = vector.broadcast %eq3A : i32 to vector<2688x128xi32>
    %eq3A_8 = arith.cmpi eq, %rem3A_6, %eq3A_7 : vector<2688x128xi32>
    %jit3A = arith.constant 1.000000e+00 : f32
    %jit3A_9 = arith.constant -1.000000e+00 : f32
    %broadcast_in_dim3A = vector.broadcast %jit3A : f32 to vector<2688x128xf32>
    %broadcast_in_dim3A_10 = vector.broadcast %jit3A_9 : f32 to vector<2688x128xf32>
    %select_n3A = arith.select %eq3A_8, %broadcast_in_dim3A, %broadcast_in_dim3A_10 : vector<2688x128xi1>, vector<2688x128xf32>
    %mul3A_11 = arith.mulf %get3A_1, %select_n3A : vector<2688x128xf32>
    %neg3A = arith.constant 0.000000e+00 : f32
    %neg3A_12 = vector.broadcast %neg3A : f32 to vector<2688x128xf32>
    %neg3A_13 = arith.subf %neg3A_12, %mul3A_11 : vector<2688x128xf32>
    %custom_jvp_call3A = arith.constant 0.000000e+00 : f32
    %max3A = vector.broadcast %custom_jvp_call3A : f32 to vector<2688x128xf32>
    %max3A_14 = arith.maximumf %neg3A_13, %max3A : vector<2688x128xf32>
    %sub3A = vector.broadcast %custom_jvp_call3A : f32 to vector<2688x128xf32>
    %sub3A_15 = arith.subf %neg3A_13, %sub3A : vector<2688x128xf32>
    %ne3A = arith.cmpf one, %sub3A_15, %sub3A_15 : vector<2688x128xf32>
    %add3A_16 = vector.broadcast %custom_jvp_call3A : f32 to vector<2688x128xf32>
    %add3A_17 = arith.addf %neg3A_13, %add3A_16 : vector<2688x128xf32>
    %abs3A = math.absf %sub3A_15 : vector<2688x128xf32>
    %neg3A_18 = arith.constant 0.000000e+00 : f32
    %neg3A_19 = vector.broadcast %neg3A_18 : f32 to vector<2688x128xf32>
    %neg3A_20 = arith.subf %neg3A_19, %abs3A : vector<2688x128xf32>
    %exp3A = math.exp %neg3A_20 : vector<2688x128xf32>
    %log1p3A = math.log1p %exp3A : vector<2688x128xf32>
    %add3A_21 = arith.addf %max3A_14, %log1p3A : vector<2688x128xf32>
    %select_n3A_22 = arith.select %ne3A, %add3A_17, %add3A_21 : vector<2688x128xi1>, vector<2688x128xf32>
    %neg3A_23 = arith.constant 0.000000e+00 : f32
    %neg3A_24 = vector.broadcast %neg3A_23 : f32 to vector<2688x128xf32>
    %neg3A_25 = arith.subf %neg3A_24, %select_n3A_22 : vector<2688x128xf32>
    %reduce_sum3A = vector.shape_cast %neg3A_25 : vector<2688x128xf32> to vector<1x2688x128xf32>
    %reduce_sum3A_26 = arith.constant dense<0.000000e+00> : vector<1xf32>
    %reduce_sum3A_27 = vector.multi_reduction <add>, %reduce_sum3A, %reduce_sum3A_26 [1, 2] : vector<1x2688x128xf32> to vector<1xf32>
    %reduce_sum3A_28 = vector.shape_cast %reduce_sum3A_27 : vector<1xf32> to vector<1x1x1xf32>
    %reduce_sum3A_29 = vector.extract %reduce_sum3A_28[0, 0, 0] : f32 from vector<1x1x1xf32>
    %neg3A_30 = arith.constant 0.000000e+00 : f32
    %neg3A_31 = arith.subf %neg3A_30, %reduce_sum3A_29 : f32
    %div3A = arith.constant 1.638400e+04 : f32
    %div3A_32 = arith.divf %neg3A_31, %div3A : f32
    %swap3A = arith.constant 0 : index
    %swap3A_33 = arith.constant 0 : index
    %swap3A_34 = memref.load %arg1[%swap3A, %swap3A_33] : memref<1x1xf32, #tpu.memory_space<smem>>
    memref.store %div3A_32, %arg1[%swap3A, %swap3A_33] : memref<1x1xf32, #tpu.memory_space<smem>>
    return
  }
}

</mosaic_0001>

<sc_bundles>
// kernel: kernel.4.cloned.1.call-start
scs
__scs_entry_jumppad:
0x0: {  	(pc) =	sbr.rel $0x88, $3  }
0x1: {  	(tag) =	ssettag $0x0;
	lr =	simm.s32 $0x1  }
0x2: {  	[smem:$0x3F9C] =	sst lr;
	_ =	strace $0xD0000000  }
0x3: {  	_ = 	snop  }
0x4: {  	_ = 	snop  }
0x5: {  	_ = 	snop  }
0x6: {  	_ = 	snop  }
0x7: {  	_ = 	snop  }
__scs_overlays_trampoline_lowered:
0x8: {  	[smem:$0x3FAB] =	sst s0  }
0x9: {  	[smem:$0x3FAC] =	sst s1  }
0xa: {  	[smem:$0x3FAD] =	sst s2  }
0xb: {  	[smem:$0x3FAE] =	sst s3  }
0xc: {  	[smem:$0x3FAF] =	sst s4  }
0xd: {  	[smem:$0x3FB0] =	sst s5  }
0xe: {  	[smem:$0x3FB1] =	sst s6  }
0xf: {  	[smem:$0x3FB2] =	sst s7  }
0x10: {  	[smem:$0x3FB3] =	sst s8  }
0x11: {  	[smem:$0x3FB4] =	sst s9;
	s0 =	simm.s32 @!p0 $0x0  }
0x12: {  	s1 =	sld [smem:$0x3F9A];
	s0 =	simm.s32 @p0 $0x1  }
0x13: {  	[smem:$0x3FB5] =	sst s0;
	s0 =	simm.s32 @!p1 $0x0  }
0x14: {  	s2 =	sld [smem:$0x3F99];
	s0 =	simm.s32 @p1 $0x1  }
0x15: {  	[smem:$0x3FB6] =	sst s0;
	s0 =	simm.s32 @!p2 $0x0  }
0x16: {  	s3 =	sld [smem:$0x3FDB];
	s0 =	simm.s32 @p2 $0x1  }
0x17: {  	s4 =	simm.s32 $0x1BF5;
	[smem:$0x3FB8] =	sst s0  }
0x18: {  	s0 =	sld [smem:$0x3F9B];
	_ =	swait.ge [sflag:s4], $0x0  }
0x19: {  	s7 =	sld [smem:$0x3F9C]  }
0x1a: {  	s8 =	sadd.s32 $0xFFFFE003, lr  }
0x1b: {  	s9 =	sadd.s32 $0xFFFFFEF7, lr;
	s5 =	simm.s32 $0xFFFFFFFF;
	p2 =	slt.u32 s8, $0xFFFFF086  }
0x1c: {  	p1 =	slt.u32 s9, $0xF7A;
	s5 =	simm.s32 @!p2 $0x0  }
0x1d: {  	s5 =	simm.s32 @p1 $0x1;
	p0 =	seq.s32 s7, s2  }
0x1e: {  	s7 =	smul.u32 @!p0 $0xF7A, s2;
	p2 =	seq.s32 @!p0 s5, $0x0  }
0x1f: {  	s9 =	smul.u32 $0xF7A, s1;
	s8 =	simm.s32 @!p0 $0x1BF5;
	p2 =	por !p2, p0  }
0x20: {  	[sflag:s8] =	ssyncset.s32 @!p0 $0xFFFFF086;
	s6 =	sadd.s32 @!p0 s3, s7;
	s7 =	simm.s32 @!p0 $0x108  }
0x21: {  	s3 =	sadd.s32 s3, s9;
	s6 =	sadd.s32 @!p0 $0x88, s6;
	s7 =	simm.s32 @p2 $0x1082  }
0x22: {  	[simem:s7], [sflag:s8] =	dma.local @!p0 [hbm:s6], $0xF7A  }
0x23: {  	s9 =	sor.u32 $0xD0000000, s2;
	s6 =	simm.s32 $0x108;
	_ =	swait.ge @!p0 [sflag:s8], $0x0  }
0x24: {  	s3 =	sadd.s32 $0x88, s3;
	s6 =	simm.s32 @!p1 $0x1082;
	[sflag:s4] =	ssyncset.s32 $0xFFFFF086  }
0x25: {  	[simem:s6], [sflag:s4] =	dma.local [hbm:s3], $0xF7A  }
0x26: {  	[smem:$0x3F9C] =	sst s1;
	(tag) =	ssettag s2;
	_ =	strace s9  }
0x27: {  	s1 =	sld [smem:$0x3FAC]  }
0x28: {  	s2 =	sld [smem:$0x3FAD]  }
0x29: {  	s4 =	sld [smem:$0x3FAF]  }
0x2a: {  	p0 =	seq.s32 s5, $0x0;
	s5 =	sld [smem:$0x3FB0]  }
0x2b: {  	s6 =	sld [smem:$0x3FB1]  }
0x2c: {  	s7 =	sld [smem:$0x3FB2]  }
0x2d: {  	s3 =	simm.s32 $0x108;
	s8 =	sld [smem:$0x3FB3]  }
0x2e: {  	s3 =	simm.s32 @!p0 $0x1082;
	s9 =	sld [smem:$0x3FB4]  }
0x2f: {  	lr =	sadd.s32 s0, s3;
	s0 =	sld [smem:$0x3FAB]  }
0x30: {  	s3 =	sld [smem:$0x3FAE]  }
0x31: {  	[smem:$0x3FB7] =	sst s10  }
0x32: {  	s10 =	sld [smem:$0x3FB5];
	_ =	sdelay $0x3  }
0x33: {  	p0 =	seq.s32 s10, $0x1;
	s10 =	sld [smem:$0x3FB7];
	_ =	sdelay $0x3  }
0x34: {  	[smem:$0x3FB7] =	sst s10  }
0x35: {  	s10 =	sld [smem:$0x3FB6];
	_ =	sdelay $0x3  }
0x36: {  	p1 =	seq.s32 s10, $0x1;
	s10 =	sld [smem:$0x3FB7];
	_ =	sdelay $0x3  }
0x37: {  	[smem:$0x3FB7] =	sst s10  }
0x38: {  	s10 =	sld [smem:$0x3FB8]  }
0x39: {  	_ = 	snop;
	(pc) =	sbr.ind lr, $3  }
0x3a: {  	_ = 	snop  }
0x3b: {  	_ = 	snop  }
0x3c: {  	p2 =	seq.s32 s10, $0x1;
	s10 =	sld [smem:$0x3FB7]  }
0x3d: {  	_ =	shalt  }
0x3e: {  	_ =	shalt  }
0x3f: {  	_ =	shalt  }
0x40: {  	_ =	shalt  }
0x41: {  	_ =	shalt  }
0x42: {  	_ =	shalt  }
0x43: {  	_ =	shalt  }
0x44: {  	_ =	shalt  }
0x45: {  	_ =	shalt  }
0x46: {  	_ =	shalt  }
0x47: {  	_ =	shalt  }
0x48: {  	_ =	shalt  }
0x49: {  	_ =	shalt  }
0x4a: {  	_ =	shalt  }
0x4b: {  	_ =	shalt  }
0x4c: {  	_ =	shalt  }
0x4d: {  	_ =	shalt  }
0x4e: {  	_ =	shalt  }
0x4f: {  	_ =	shalt  }
0x50: {  	_ =	shalt  }
0x51: {  	_ =	shalt  }
0x52: {  	_ =	shalt  }
0x53: {  	_ =	shalt  }
0x54: {  	_ =	shalt  }
0x55: {  	_ =	shalt  }
0x56: {  	_ =	shalt  }
0x57: {  	_ =	shalt  }
0x58: {  	_ =	shalt  }
0x59: {  	_ =	shalt  }
0x5a: {  	_ =	shalt  }
0x5b: {  	_ =	shalt  }
0x5c: {  	_ =	shalt  }
0x5d: {  	_ =	shalt  }
0x5e: {  	_ =	shalt  }
0x5f: {  	_ =	shalt  }
0x60: {  	_ =	shalt  }
0x61: {  	_ =	shalt  }
0x62: {  	_ =	shalt  }
0x63: {  	_ =	shalt  }
0x64: {  	_ =	shalt  }
0x65: {  	_ =	shalt  }
0x66: {  	_ =	shalt  }
0x67: {  	_ =	shalt  }
0x68: {  	_ =	shalt  }
0x69: {  	_ =	shalt  }
0x6a: {  	_ =	shalt  }
0x6b: {  	_ =	shalt  }
0x6c: {  	_ =	shalt  }
0x6d: {  	_ =	shalt  }
0x6e: {  	_ =	shalt  }
0x6f: {  	_ =	shalt  }
0x70: {  	_ =	shalt  }
0x71: {  	_ =	shalt  }
0x72: {  	_ =	shalt  }
0x73: {  	_ =	shalt  }
0x74: {  	_ =	shalt  }
0x75: {  	_ =	shalt  }
0x76: {  	_ =	shalt  }
0x77: {  	_ =	shalt  }
0x78: {  	_ =	shalt  }
0x79: {  	_ =	shalt  }
0x7a: {  	_ =	shalt  }
0x7b: {  	_ =	shalt  }
0x7c: {  	_ =	shalt  }
0x7d: {  	_ =	shalt  }
0x7e: {  	_ =	shalt  }
0x7f: {  	_ =	shalt  }
0x80: {  	_ =	shalt  }
0x81: {  	_ =	shalt  }
0x82: {  	_ =	shalt  }
0x83: {  	_ =	shalt  }
0x84: {  	_ =	shalt  }
0x85: {  	_ =	shalt  }
0x86: {  	_ =	shalt  }
0x87: {  	_ =	shalt  }
.Lfunc_end0:
.L_simem_size_0:
called_computation_lowered:
.L_overlay_start_0:
0x88: {  	s2 =	sld [smem:$0x3FD9]  }
0x89: {  	s3 =	sld [smem:$0x3FFE];
	_ =	sdelay $0x1  }
0x8a: {  	s1 =	srdreg.scid  }
0x8b: {  	s0 =	sand.u32 $0x1, s1  }
0x8c: {  	s17 =	sshll.u32 s0, $0xA;
	s2 =	sadd.s32 s3, s2  }
0x8d: {  	s2 =	sadd.s32 s2, s17  }
0x8e: {  	[smem:$0x3FC3] =	sst s2  }
0x8f: {  	_ = 	snop  }
0x90: {  	s2 =	sld [smem:$0x3FC9];
	(tm) =	ssettm $0x1  }
0x91: {  	s18 =	sld [smem:$0x3FFB];
	_ =	sdelay $0x3  }
0x92: {  	_ =	strace s18  }
0x93: {  	s3 =	sld [smem:$0x3FFC];
	_ =	sdelay $0x3  }
0x94: {  	_ =	strace s3  }
0x95: {  	s3 =	sld [smem:$0x3FFD];
	_ =	sdelay $0x3  }
0x96: {  	_ =	strace s3  }
0x97: {  	_ =	strace $0x8FFFFFFF  }
0x98: {  	s19 =	sld [smem:$0x3FDB];
	_ =	sdelay $0x1  }
0x99: {  	s4 =	simm.s32 $_scs_section_size  }
0x9a: {  	s5 =	simm.s32 $_size__tile_overlayer_lowered;
	s6 =	simm.s32 $_tile_overlayer_lowered  }
0x9b: {  	s22 =	simm.s32 $0x1BFF;
	s21 =	sshll.u32 s6, $0x1;
	s3 =	sadd.s32 s4, s19  }
0x9c: {  	s7 =	simm.s32 $0x0;
	s20 =	sshll.u32 s5, $0x1;
	s5 =	sadd.s32 s21, s3  }
0x9d: {  	[timem:s7], [sflag:s22] =	dma.local [hbm:s5], s20  }
0x9e: {  	_ =	swait.ge [sflag:s22], s20  }
0x9f: {  	s4 =	ssub.s32 $0x0, s20;
	[sflag:s22] =	ssyncset.done $0x0  }
0xa0: {  	[sflag:s22] =	ssyncadd.s32 s4;
	_ =	sdelay $0x1  }
0xa1: {  	s23 =	simm.s32 $0x1B8B  }
0xa2: {  	_ =	swait.ge [sflag:s23], $0x1  }
0xa3: {  	[sflag:s23] =	ssyncset.done $0x0  }
0xa4: {  	s25 =	simm.s32 $0x1B8E;
	s24 =	sld [smem:$0x3FFE];
	[sflag:s23] =	ssyncadd.s32 $0xFFFFFFFF  }
0xa5: {  	s26 =	simm.s32 $execute0_lowered;
	[smem:$0x3FD2] =	sst s25  }
0xa6: {  	s5 =	sshll.u32 s26, $0x1;
	_ =	strace $0x80000046;
	[dreg:$0x1] =	wrdreg $0xFFFFFFFF  }
0xa7: {  	s28 =	simm.s32 $_size_execute0_lowered;
	s3 =	sadd.s32 s3, s5;
	[dreg:$0x0] =	wrdreg $0x0  }
0xa8: {  	s5 =	sshll.u32 s28, $0x1;
	[dreg:$0x2] =	wrdreg s3  }
0xa9: {  	[dreg:$0x3] =	wrdreg s5  }
0xaa: {  	[dreg:$0x4] =	wrdreg $0xC0  }
0xab: {  	_ =	task [dreg:s7], $0x5FFFF  }
0xac: {  	[dreg:$0x1] =	wrdreg $0xFFFFFFFF  }
0xad: {  	[dreg:$0x0] =	wrdreg $0x60  }
0xae: {  	[dreg:$0x2] =	wrdreg s2  }
0xaf: {  	[dreg:$0x3] =	wrdreg s24  }
0xb0: {  	[dreg:$0x4] =	wrdreg $0x9  }
0xb1: {  	_ =	task.clear_ibuf [dreg:s7], $0x5FFFF;
	_ =	strace $0x90000046  }
0xb2: {  	s29 =	simm.s32 $0x9;
	_ =	strace $0x80000048  }
0xb3: {  	_ =	swait.ge [sflag:s29], $0x1  }
0xb4: {  	[sflag:s29] =	ssyncadd.s32 $0xFFFFFFFF  }
0xb5: {  	_ =	strace $0x90000048  }
0xb6: {  	_ =	sfence  }
0xb7: {  	s30 =	sld [smem:$0x0];
	_ =	sdelay $0x2  }
0xb8: {  	s31 =	sshll.u32 s1, $0xD;
	s1 =	sshrl.u32 s1, $0x2  }
0xb9: {  	s3 =	sand.u32 $0x4000, s31;
	s1 =	sadd.s32 s1, s30  }
0xba: {  	s0 =	sor.u32 s3, s0;
	s1 =	sshll.u32 s1, $0x11  }
0xbb: {  	s0 =	sor.u32 s1, s0  }
0xbc: {  	s0 =	sadd.s32 $0x8F2B, s0  }
0xbd: {  	[sflag:s0] =	ssyncadd.remote.s32 $0x1  }
0xbe: {  	_ =	sfence.sel $0xFFFF  }
0xbf: {  	[dreg:$0x0] =	wrdreg $0xFFFFFFFF;
	(pc) =	sbr.abs _section_cstart, $3  }
0xc0: {  	[dreg:$0x1] =	wrdreg $0xFFFFFFFF  }
0xc1: {  	_ =	task.clear_ibuf [dreg:s7], $0x2FFFF;
	_ =	strace $0x9FFFFFFF  }
0xc2: {  	(tm) =	ssettm $0x7FFFFFFF  }
0xc3: {  	_ =	shalt  }
tec
execute0_lowered:
.L_overlay_start_1:
0x0: {  	(tag) =	ssettag $0x1  }
0x1: {  	s0 =	rddreg [dreg:$0x0];
	v0 =	vimm.s32 $0xFEDCBA98  }
0x2: {  	s1 =	rddreg [dreg:$0x1];
	s3 =	srdreg.scid;
	v1 =	vimm.s32 $0x76543210;
	v2 =	vimm.s32 $0xBA98FEDC;
	v3 =	vimm.s32 $0x32107654  }
0x3: {  	s4 =	stileid.u32;
	s2 =	simm.s32 $0x0;
	v4 =	vimm.s32 $0xDCFE98BA;
	v5 =	vimm.s32 $0x54761032;
	v6 =	vimm.s32 $0xEFCDAB89;
	s11 =	simm.s32 $0x80  }
0x4: {  	v7 =	vimm.s32 $0x67452301;
	s13 =	simm.s32 $0x1;
	s19 =	simm.s32 $0xAC00;
	s20 =	simm.s32 $0x2;
	v0 =	vunpack.c.l.s4.s8 v0;
	v1 =	vunpack.c.l.s4.s8 v1  }
0x5: {  	s21 =	simm.s32 $0xCC00;
	s22 =	simm.s32 $0x0;
	s24 =	simm.s32 $0x0;
	v2 =	vunpack.c.l.s4.s8 v2;
	v3 =	vunpack.c.l.s4.s8 v3;
	v4 =	vunpack.c.l.s4.s8 v4  }
0x6: {  	s5 =	sand.u32 $0x1, s3;
	s29 =	sshll.u32 s4, $0x1;
	[smem:$0x7FF] =	sst s2;
	v5 =	vunpack.c.l.s4.s8 v5;
	v6 =	vunpack.c.l.s4.s8 v6;
	v7 =	vunpack.c.l.s4.s8 v7  }
0x7: {  	s3 =	sadd.s32 $0x16E4000, s1;
	s6 =	sor.u32 s5, s29;
	s8 =	ssub.s32 $0x2, s5;
	v0 =	vunpack.c.0.s8.s32 v0;
	v1 =	vunpack.c.0.s8.s32 v1;
	v2 =	vunpack.c.0.s8.s32 v2  }
0x8: {  	s4 =	sadd.s32 $0xF42E00, s1;
	s7 =	smul.u32 $0x540, s6;
	s30 =	sshrl.u32 s8, $0x1;
	v3 =	vunpack.c.0.s8.s32 v3;
	v4 =	vunpack.c.0.s8.s32 v4;
	v5 =	vunpack.c.0.s8.s32 v5  }
0x9: {  	_ =	strace $0x80000047;
	s9 =	sshll.u32 s6, $0x6;
	v6 =	vunpack.c.0.s8.s32 v6;
	v7 =	vunpack.c.0.s8.s32 v7;
	s31 =	ssub.s32 s8, s30;
	v0 =	vand.u32 $0xF, v0  }
0xa: {  	s1 =	sadd.s32 s7, s1;
	s7 =	sadd.s32 s0, s9;
	s8 =	smax.u32 s31, $0x1;
	v0 =	vcombine.low v0, v1;
	v1 =	vcombine.low v3, v2  }
0xb: {  	s9 =	simm.s32 $0x3;
	s5 =	sadd.s32 $0xA00, s1;
	s6 =	sadd.s32 $0xB200, s1;
	v2 =	vcombine.low v5, v4;
	v3 =	vcombine.low v7, v6;
	v4 =	vlaneseq.u32  }
.LBB2_1:
0xc: {  	[tilespmem:s2], [sflag:$0x3] =	stream.linear.gather [hbm4b:s7+s2], $0x200, $0x38;
	[tilespmem:$0xF600] =	vst v63  }
0xd: {  	_ =	swait.ge [sflag:s9], $0x200  }
0xe: {  	[sflag:s9] =	ssyncset.done $0x0  }
0xf: {  	s0 =	simm.s32 $0x200;
	[sflag:s9] =	ssyncadd.s32 $0xFFFFFE00  }
0x10: {  	[tilespmem:s0], [sflag:$0x3] =	stream.linear.gather [hbm4b:s5+s2], $0x2A00, $0x38;
	[tilespmem:$0xF600] =	vst v63  }
0x11: {  	_ =	swait.ge [sflag:s9], $0x2A00  }
0x12: {  	[sflag:s9] =	ssyncset.done $0x0  }
0x13: {  	s26 =	simm.s32 $0x2C00;
	[sflag:s9] =	ssyncadd.s32 $0xFFFFD600  }
0x14: {  	[tilespmem:s26], [sflag:$0x1] =	stream.indirect.gather [hbm4b:s3+s11], $0x40, s2, s11, $0xb8;
	[tilespmem:$0xF600] =	vst v63  }
0x15: {  	_ =	swait.ge [sflag:s13], $0x2000  }
0x16: {  	[sflag:s13] =	ssyncset.done $0x0  }
0x17: {  	s28 =	simm.s32 $0x4C00;
	[sflag:s13] =	ssyncadd.s32 $0xFFFFE000  }
0x18: {  	[tilespmem:s28], [sflag:$0x1] =	stream.indirect.gather [hbm4b:s3+s11], $0x40, s11, s11, $0xb8;
	[tilespmem:$0xF600] =	vst v63  }
0x19: {  	_ =	swait.ge [sflag:s13], $0x2000  }
0x1a: {  	[sflag:s13] =	ssyncset.done $0x0  }
0x1b: {  	s29 =	simm.s32 $0x100;
	s1 =	simm.s32 $0x6C00;
	[sflag:s13] =	ssyncadd.s32 $0xFFFFE000  }
0x1c: {  	[tilespmem:s1], [sflag:$0x1] =	stream.indirect.gather [hbm4b:s3+s11], $0x40, s29, s11, $0xb8;
	[tilespmem:$0xF600] =	vst v63  }
0x1d: {  	_ =	swait.ge [sflag:s13], $0x2000  }
0x1e: {  	[sflag:s13] =	ssyncset.done $0x0  }
0x1f: {  	s30 =	simm.s32 $0x180;
	s31 =	simm.s32 $0x8C00;
	[sflag:s13] =	ssyncadd.s32 $0xFFFFE000  }
0x20: {  	[tilespmem:s31], [sflag:$0x1] =	stream.indirect.gather [hbm4b:s3+s11], $0x40, s30, s11, $0xb8;
	[tilespmem:$0xF600] =	vst v63  }
0x21: {  	_ =	swait.ge [sflag:s13], $0x2000  }
0x22: {  	s23 =	simm.s32 $0x0;
	[sflag:s13] =	ssyncset.done $0x0  }
0x23: {  	s0 =	simm.s32 $0x0;
	s1 =	simm.s32 $0x0;
	[sflag:s13] =	ssyncadd.s32 $0xFFFFE000  }
.LBB2_2:
0x24: {  	s10 =	sshll.u32 s23, $0x7  }
0x25: {  	s12 =	sadd.s32 $0x200, s10  }
0x26: {  	[tilespmem:s19], [sflag:$0x2] =	stream.indirect.gather [hbm4b:s4+s11], $0x40, s12, s11, $0xb8;
	[tilespmem:$0xF600] =	vst v63  }
0x27: {  	_ =	swait.ge [sflag:s20], $0x2000  }
0x28: {  	s10 =	sadd.s32 $0xCC00, s10;
	[sflag:s20] =	ssyncset.done $0x0  }
0x29: {  	s25 =	simm.s32 $0xAC20;
	s26 =	simm.s32 $0x0;
	v5 =	vmov s10;
	[sflag:s20] =	ssyncadd.s32 $0xFFFFE000  }
.LBB2_3:
0x2a: {  	v6 =	vld [tilespmem:s25+$0x10]  }
0x2b: {  	v7 =	vld [tilespmem:s25+$0x0]  }
0x2c: {  	v8 =	vld [tilespmem:s25+$0xFFFFFFE0]  }
0x2d: {  	s10 =	sshll.u32 s1, $0x8;
	v9 =	vld [tilespmem:s25+$0xFFFFFFF0];
	s16 =	sadd.s32 $0x40, s25  }
0x2e: {  	s10 =	sshra.s32 s10, $0x2;
	v14 =	vld [tilespmem:s16+$0x10]  }
0x2f: {  	v10 =	vld [tilespmem:s10+$0x2C00]  }
0x30: {  	s0 =	sadd.s32 $0x1, s0;
	v11 =	vld [tilespmem:s10+$0x2C10]  }
0x31: {  	s12 =	simm.s32 $0x1;
	p0 =	sgt.s32 s0, $0x14;
	v15 =	vld [tilespmem:s16+$0x0]  }
0x32: {  	v12 =	vld [tilespmem:s10+$0x2C20];
	s12 =	simm.s32 @!p0 $0x0  }
0x33: {  	v16 =	vld [tilespmem:s16+$0xFFFFFFE0];
	s17 =	sadd.s32 s12, s1  }
0x34: {  	v13 =	vld [tilespmem:s10+$0x2C30];
	s12 =	sshll.u32 s17, $0x8  }
0x35: {  	s12 =	sshra.s32 s12, $0x2;
	v8 =	vmul.f32 v8, v10;
	v9 =	vmul.f32 v9, v11;
	v10 =	vld [tilespmem:s16+$0xFFFFFFF0]  }
0x36: {  	v11 =	vld [tilespmem:s12+$0x2C00]  }
0x37: {  	s0 =	simm.s32 @p0 $0x0;
	v7 =	vmul.f32 v7, v12;
	v8 =	vadd.f32 v9, v8;
	v9 =	vld [tilespmem:s12+$0x2C10]  }
0x38: {  	s0 =	sadd.s32 $0x1, s0;
	v12 =	vld [tilespmem:s12+$0x2C20]  }
0x39: {  	s10 =	sadd.s32 $0x40, s16;
	p0 =	sgt.s32 s0, $0x14;
	v6 =	vmul.f32 v6, v13;
	v7 =	vadd.f32 v7, v8;
	v8 =	vld [tilespmem:s12+$0x2C30];
	s12 =	simm.s32 $0x1  }
0x3a: {  	v17 =	vld [tilespmem:s10+$0xFFFFFFF0];
	s18 =	sadd.s32 $0x40, s10;
	s12 =	simm.s32 @!p0 $0x0  }
0x3b: {  	v19 =	vld [tilespmem:s18+$0xFFFFFFE0];
	v6 =	vadd.f32 v6, v7;
	s1 =	sadd.s32 s12, s17  }
0x3c: {  	v13 =	vld [tilespmem:s10+$0x10];
	v11 =	vmul.f32 v16, v11;
	s12 =	sshll.u32 s1, $0x8;
	v9 =	vmul.f32 v10, v9  }
0x3d: {  	s0 =	simm.s32 @p0 $0x0;
	v16 =	vld [tilespmem:s10+$0xFFFFFFE0];
	v10 =	vperm.xlane v6, v0;
	s12 =	sshra.s32 s12, $0x2  }
0x3e: {  	s14 =	sadd.s32 $0x1, s0;
	v12 =	vmul.f32 v15, v12;
	v15 =	vld [tilespmem:s12+$0x2C00];
	v9 =	vadd.f32 v9, v11  }
0x3f: {  	s0 =	simm.s32 $0x1;
	p0 =	sgt.s32 s14, $0x14;
	v11 =	vld [tilespmem:s12+$0x2C10];
	v10 =	vadd.f32 v6, v10  }
0x40: {  	v7 =	vld [tilespmem:s10+$0x0];
	s0 =	simm.s32 @!p0 $0x0;
	v8 =	vmul.f32 v14, v8;
	v9 =	vadd.f32 v12, v9  }
0x41: {  	s15 =	sadd.s32 s0, s1;
	v14 =	vld [tilespmem:s12+$0x2C20];
	v12 =	vperm.xlane v10, v1  }
0x42: {  	s0 =	sshll.u32 s15, $0x8;
	v18 =	vld [tilespmem:s12+$0x2C30];
	v9 =	vadd.f32 v8, v9  }
0x43: {  	s16 =	sshra.s32 s0, $0x2;
	v6 =	vld [tilespmem:s18+$0x10];
	v12 =	vadd.f32 v10, v12;
	v15 =	vmul.f32 v16, v15  }
0x44: {  	v20 =	vld [tilespmem:s16+$0x2C00];
	v11 =	vmul.f32 v17, v11;
	v16 =	vperm.xlane v9, v0  }
0x45: {  	v8 =	vld [tilespmem:s18+$0xFFFFFFF0];
	v17 =	vperm.xlane v12, v2  }
0x46: {  	s31 =	simm.s32 $0x3;
	v10 =	vld [tilespmem:s18+$0x0];
	v7 =	vmul.f32 v7, v14;
	v11 =	vadd.f32 v11, v15;
	v21 =	vadd.f32 v9, v16  }
0x47: {  	s28 =	simm.s32 $0x5;
	s29 =	simm.s32 $0x6;
	s14 =	simm.s32 @p0 $0x0;
	v15 =	vld [tilespmem:s16+$0x2C10];
	v17 =	vadd.f32 v12, v17  }
0x48: {  	s30 =	simm.s32 $0x7;
	s10 =	simm.s32 $0x1;
	s14 =	sadd.s32 $0x1, s14;
	v14 =	vld [tilespmem:s16+$0x2C20];
	v12 =	vmul.f32 v13, v18;
	v11 =	vadd.f32 v7, v11;
	v18 =	vperm.xlane v21, v1  }
0x49: {  	s17 =	simm.s32 $0x1;
	p0 =	sgt.s32 s14, $0x14;
	s12 =	sadd.s32 $0x40, s18;
	v13 =	vld [tilespmem:s16+$0x2C30];
	v22 =	vperm.xlane v17, v3  }
0x4a: {  	s1 =	simm.s32 $0x2;
	s0 =	simm.s32 $0x4;
	s17 =	simm.s32 @!p0 $0x0;
	v9 =	vimm.f32 $0.0e+00;
	v7 =	vld [tilespmem:s12+$0x10];
	v16 =	vadd.f32 v12, v11;
	v12 =	vadd.f32 v21, v18  }
0x4b: {  	s14 =	simm.s32 @p0 $0x0;
	s15 =	sadd.s32 s17, s15;
	s16 =	simm.s32 $0x8;
	v11 =	vld [tilespmem:s12+$0x0];
	v18 =	vmul.f32 v19, v20;
	v19 =	vmov s24;
	v17 =	vadd.f32 v17, v22  }
.LBB2_4:
0x4c: {  	p0 =	sne.s32 s16, $0xF;
	s17 =	sshll.u32 s15, $0x8;
	v20 =	vld [tilespmem:s12+$0xFFFFFFE0];
	v15 =	vmul.f32 v8, v15;
	v21 =	vperm.xlane v16, v0;
	vm0 =	veq.s32 v19, v4;
	s18 =	smov.u32 s1  }
0x4d: {  	s1 =	smov.u32 s31;
	s31 =	smov.u32 s0;
	s17 =	sshra.s32 s17, $0x2;
	v8 =	vld [tilespmem:s12+$0xFFFFFFF0];
	v23 =	vmul.f32 v10, v14;
	v14 =	vperm.xlane v12, v2;
	v9 =	vsel vm0, v17, v9  }
0x4e: {  	s0 =	smov.u32 s28;
	s28 =	smov.u32 s29;
	s29 =	smov.u32 s30;
	v17 =	vld [tilespmem:s17+$0x2C00];
	v18 =	vadd.f32 v15, v18;
	v19 =	vmul.f32 v6, v13;
	v21 =	vadd.f32 v16, v21  }
.Ltmp0:
0x4f: {  	s30 =	smov.u32 s16;
	v15 =	vld [tilespmem:s17+$0x2C10];
	v22 =	vadd.f32 v12, v14;
	v6 =	vmov v7;
	(pc) =	sbr.rel @p0 .LBB2_4-.Ltmp0, $4  }
0x50: {  	s14 =	sadd.s32 $0x1, s14;
	v14 =	vld [tilespmem:s17+$0x2C20];
	v12 =	vadd.f32 v23, v18;
	v18 =	vperm.xlane v21, v1;
	v10 =	vmov v11  }
0x51: {  	p1 =	sgt.s32 s14, $0x14;
	s12 =	sadd.s32 $0x40, s12;
	v13 =	vld [tilespmem:s17+$0x2C30];
	v23 =	vperm.xlane v22, v3;
	s17 =	simm.s32 $0x1  }
0x52: {  	s14 =	simm.s32 @p1 $0x0;
	v7 =	vld [tilespmem:s12+$0x10];
	s17 =	simm.s32 @!p1 $0x0;
	v16 =	vadd.f32 v19, v12;
	v12 =	vadd.f32 v21, v18  }
0x53: {  	s16 =	sadd.s32 $0x1, s16;
	v19 =	vmov s10;
	s10 =	smov.u32 s18;
	v11 =	vld [tilespmem:s12+$0x0];
	v18 =	vmul.f32 v20, v17;
	s15 =	sadd.s32 s17, s15;
	v17 =	vadd.f32 v22, v23  }
0x54: {  	s16 =	sshll.u32 s15, $0x8;
	v24 =	vld [tilespmem:s12+$0xFFFFFFE0]  }
0x55: {  	v25 =	vld [tilespmem:s12+$0xFFFFFFF0];
	s16 =	sshra.s32 s16, $0x2  }
0x56: {  	v20 =	vld [tilespmem:s16+$0x2C00]  }
0x57: {  	v21 =	vld [tilespmem:s16+$0x2C10]  }
0x58: {  	s14 =	sadd.s32 $0x1, s14;
	v22 =	vld [tilespmem:s16+$0x2C20]  }
0x59: {  	s17 =	sadd.s32 $0x40, s12;
	p0 =	sgt.s32 s14, $0x14;
	v23 =	vld [tilespmem:s16+$0x2C30];
	s16 =	simm.s32 $0x1  }
0x5a: {  	v26 =	vld [tilespmem:s17+$0x10];
	s16 =	simm.s32 @!p0 $0x0  }
0x5b: {  	v27 =	vld [tilespmem:s17+$0x0];
	s18 =	sadd.s32 s16, s15  }
0x5c: {  	v32 =	vld [tilespmem:s17+$0xFFFFFFE0];
	s16 =	sshll.u32 s18, $0x8  }
0x5d: {  	v33 =	vld [tilespmem:s17+$0xFFFFFFF0];
	s16 =	sshra.s32 s16, $0x2  }
0x5e: {  	v28 =	vld [tilespmem:s16+$0x2C00]  }
0x5f: {  	s14 =	simm.s32 @p0 $0x0;
	v29 =	vld [tilespmem:s16+$0x2C10]  }
0x60: {  	s14 =	sadd.s32 $0x1, s14;
	v30 =	vld [tilespmem:s16+$0x2C20]  }
0x61: {  	s17 =	sadd.s32 $0x40, s17;
	p0 =	sgt.s32 s14, $0x14;
	v31 =	vld [tilespmem:s16+$0x2C30];
	s16 =	simm.s32 $0x1  }
0x62: {  	v34 =	vld [tilespmem:s17+$0x10];
	s16 =	simm.s32 @!p0 $0x0  }
0x63: {  	v8 =	vmul.f32 v8, v15;
	v41 =	vperm.xlane v16, v0;
	v40 =	vld [tilespmem:s17+$0x0];
	s15 =	sadd.s32 s16, s18  }
0x64: {  	v45 =	vperm.xlane v12, v2;
	v46 =	vld [tilespmem:s17+$0xFFFFFFE0];
	s16 =	sshll.u32 s15, $0x8  }
0x65: {  	v10 =	vmul.f32 v10, v14;
	v8 =	vadd.f32 v8, v18;
	v14 =	vadd.f32 v16, v41;
	v49 =	vld [tilespmem:s17+$0xFFFFFFF0];
	s14 =	simm.s32 @p0 $0x0;
	s18 =	sshra.s32 s16, $0x2  }
0x66: {  	v6 =	vmul.f32 v6, v13;
	s12 =	sadd.s32 $0x1, s14;
	v35 =	vld [tilespmem:s18+$0x2C00]  }
0x67: {  	v12 =	vadd.f32 v12, v45;
	v8 =	vadd.f32 v10, v8;
	v47 =	vperm.xlane v14, v1;
	s14 =	simm.s32 $0x1;
	p0 =	sgt.s32 s12, $0x14;
	v42 =	vld [tilespmem:s18+$0x2C10]  }
0x68: {  	s14 =	simm.s32 @!p0 $0x0;
	v43 =	vld [tilespmem:s18+$0x2C20]  }
0x69: {  	v55 =	vperm.xlane v12, v3;
	v6 =	vadd.f32 v6, v8;
	v8 =	vadd.f32 v14, v47;
	s14 =	sadd.s32 s14, s15;
	v44 =	vld [tilespmem:s18+$0x2C30];
	s18 =	sadd.s32 $0x40, s17  }
0x6a: {  	vm0 =	veq.s32 v19, v4;
	v48 =	vmul.f32 v24, v20;
	v50 =	vmul.f32 v25, v21;
	s15 =	sshll.u32 s14, $0x8;
	v51 =	vld [tilespmem:s18+$0xFFFFFFE0]  }
0x6b: {  	v9 =	vsel vm0, v17, v9;
	v52 =	vperm.xlane v6, v0;
	v58 =	vperm.xlane v8, v2;
	s15 =	sshra.s32 s15, $0x2;
	v54 =	vld [tilespmem:s18+$0xFFFFFFF0]  }
0x6c: {  	v11 =	vmul.f32 v11, v22;
	v7 =	vmul.f32 v7, v23;
	v16 =	vadd.f32 v50, v48;
	v57 =	vld [tilespmem:s15+$0x2C00]  }
0x6d: {  	v6 =	vadd.f32 v6, v52;
	v8 =	vadd.f32 v8, v58;
	v53 =	vmul.f32 v32, v28;
	v59 =	vld [tilespmem:s15+$0x2C10]  }
0x6e: {  	v11 =	vadd.f32 v11, v16;
	v56 =	vmul.f32 v33, v29;
	v60 =	vmul.f32 v27, v30;
	v61 =	vld [tilespmem:s18+$0x0]  }
0x6f: {  	v12 =	vadd.f32 v12, v55;
	v62 =	vperm.xlane v6, v1;
	v27 =	vmul.f32 v26, v31;
	v63 =	vld [tilespmem:s15+$0x2C20]  }
0x70: {  	v33 =	vmov s10;
	v36 =	vperm.xlane v8, v3;
	v7 =	vadd.f32 v7, v11;
	v29 =	vld [tilespmem:s18+$0x10]  }
0x71: {  	v30 =	vld [tilespmem:s15+$0x2C30];
	vm9 =	veq.s32 v33, v4;
	v17 =	vmul.f32 v46, v35;
	v18 =	vmul.f32 v49, v42  }
0x72: {  	v22 =	vadd.f32 v56, v53;
	v31 =	vmul.f32 v51, v57;
	v14 =	vmul.f32 v54, v59  }
0x73: {  	v6 =	vadd.f32 v6, v62;
	v13 =	vmul.f32 v40, v43;
	v32 =	vadd.f32 v18, v17  }
0x74: {  	v16 =	vadd.f32 v60, v22;
	v35 =	vmul.f32 v61, v63;
	v14 =	vadd.f32 v14, v31  }
0x75: {  	v37 =	vperm.xlane v7, v0;
	v10 =	vmul.f32 v34, v44;
	v13 =	vadd.f32 v13, v32  }
0x76: {  	v11 =	vadd.f32 v27, v16;
	v38 =	vmul.f32 v29, v30;
	v14 =	vadd.f32 v35, v14  }
0x77: {  	v8 =	vadd.f32 v8, v36;
	v56 =	vmov s0;
	v10 =	vadd.f32 v10, v13  }
0x78: {  	v7 =	vadd.f32 v7, v37;
	v39 =	vperm.xlane v11, v0;
	v40 =	vadd.f32 v38, v14  }
0x79: {  	v9 =	vsel vm9, v12, v9;
	vm12 =	veq.s32 v56, v4;
	v42 =	vperm.xlane v10, v0  }
0x7a: {  	v44 =	vperm.xlane v7, v1;
	v11 =	vadd.f32 v11, v39;
	v17 =	vperm.xlane v40, v0  }
0x7b: {  	v41 =	vperm.xlane v6, v2;
	v60 =	vmov s28;
	v10 =	vadd.f32 v10, v42  }
0x7c: {  	v7 =	vadd.f32 v7, v44;
	v45 =	vperm.xlane v11, v1;
	v12 =	vadd.f32 v40, v17  }
0x7d: {  	v43 =	vmov s1;
	v6 =	vadd.f32 v6, v41;
	v47 =	vperm.xlane v10, v1  }
0x7e: {  	v48 =	vperm.xlane v7, v2;
	v11 =	vadd.f32 v11, v45;
	v49 =	vperm.xlane v12, v1  }
0x7f: {  	vm10 =	veq.s32 v43, v4;
	v51 =	vmov s31;
	v10 =	vadd.f32 v10, v47  }
0x80: {  	v7 =	vadd.f32 v7, v48;
	v50 =	vperm.xlane v11, v2;
	v52 =	vadd.f32 v12, v49  }
0x81: {  	v8 =	vsel vm10, v8, v9;
	v46 =	vperm.xlane v6, v3;
	v53 =	vperm.xlane v10, v2  }
0x82: {  	v54 =	vperm.xlane v7, v3;
	v11 =	vadd.f32 v11, v50;
	v55 =	vperm.xlane v52, v2  }
0x83: {  	vm11 =	veq.s32 v51, v4;
	v6 =	vadd.f32 v6, v46;
	v10 =	vadd.f32 v10, v53  }
0x84: {  	v7 =	vadd.f32 v7, v54;
	v57 =	vperm.xlane v11, v3;
	v58 =	vadd.f32 v52, v55  }
0x85: {  	v63 =	vmov s30;
	s30 =	sshll.u32 s26, $0x4;
	s26 =	sadd.s32 $0x1, s26;
	v6 =	vsel vm11, v6, v8;
	v12 =	vperm.xlane v10, v3  }
0x86: {  	p1 =	sne.s32 s26, $0x8;
	v6 =	vsel vm12, v7, v6;
	v59 =	vadd.f32 v11, v57;
	v7 =	vperm.xlane v58, v3  }
.Ltmp1:
0x87: {  	s12 =	simm.s32 @p0 $0x0;
	v62 =	vmov s29;
	vm13 =	veq.s32 v60, v4;
	v61 =	vadd.f32 v10, v12;
	(pc) =	sbr.rel @p1 .LBB2_3-.Ltmp1, $4  }
0x88: {  	s0 =	sadd.s32 $0x1, s12;
	vm14 =	veq.s32 v62, v4;
	v6 =	vsel vm13, v59, v6;
	v7 =	vadd.f32 v58, v7  }
0x89: {  	s10 =	simm.s32 $0x1;
	p0 =	sgt.s32 s0, $0x14;
	vm15 =	veq.s32 v63, v4;
	v6 =	vsel vm14, v61, v6  }
0x8a: {  	s10 =	simm.s32 @!p0 $0x0;
	s31 =	sand.u32 $0x3FFFFFF0, s30;
	v6 =	vsel vm15, v7, v6  }
0x8b: {  	s25 =	sadd.s32 $0x400, s25;
	s0 =	simm.s32 @p0 $0x0;
	s1 =	sadd.s32 s10, s14;
	[tilespmem:v5+s31+$0x0 ss:$0x1] =	vst.idx.msk $0xffff, v6  }
0x8c: {  	s23 =	sadd.s32 $0x1, s23  }
0x8d: {  	p0 =	sne.s32 s23, $0x54  }
.Ltmp2:
0x8e: {  	_ = 	snop;
	(pc) =	sbr.rel @p0 .LBB2_2-.Ltmp2, $1  }
0x8f: {  	_ =	sdelay $0x3  }
0x90: {  	s22 =	sadd.s32 $0x1, s22  }
0x91: {  	p0 =	sne.s32 s22, s8  }
.Ltmp3:
0x92: {  	_ = 	snop;
	(pc) =	sbr.rel @p0 .LBB2_1-.Ltmp3, $4  }
0x93: {  	[hbm4b:s6+s2] =	stream.linear.scatter [tilespmem:s21], [sflag:$0x3], $0x2A00, $0x38;
	[tilespmem:$0xF600] =	vst v63  }
0x94: {  	_ =	swait.ge [sflag:s9], $0x2A00  }
0x95: {  	[sflag:s9] =	ssyncset.done $0x0  }
0x96: {  	[sflag:s9] =	ssyncadd.s32 $0xFFFFD600  }
0x97: {  	_ =	sfence.sel $0x180000  }
0x98: {  	[bflag:$0x0] =	sbarrier.arrive $0xFFFF  }
0x99: {  	_ =	strace $0x90000047  }
0x9a: {  	s0 =	stileid.u32;
	[bflag:$0x2] =	sbarrier.arrive $0xFFFF  }
0x9b: {  	p0 =	sne.s32 s0, $0x0;
	s0 =	rddreg [dreg:$0x2]  }
0x9c: {  	s0 =	sadd.s32 @!p0 $0x100000, s0  }
0x9d: {  	[sflag:s0] =	ssyncadd.tile.s32 @!p0 $0x1;
	_ =	shalt  }
.Lfunc_end2:
_tile_overlayer_lowered:
.L_overlay_start_2:
0x9e: {  	(tag) =	ssettag $0x2  }
0x9f: {  	s0 =	rddreg [dreg:$0x0];
	s2 =	stileid.u32  }
0xa0: {  	s1 =	rddreg [dreg:$0x1];
	p0 =	sne.s32 s2, $0x0  }
0xa1: {  	s3 =	rddreg [dreg:$0x2];
	[bflag:$0x3] =	sbarrier.arrive $0xFFFF;
	s2 =	simm.s32 @!p0 $0x1C03  }
0xa2: {  	[timem:s3], [sflag:s2] =	dma.local @!p0 [hbm:s0], s1  }
0xa3: {  	s0 =	simm.s32 @!p0 $0x3  }
0xa4: {  	_ =	swait.ge @!p0 [sflag:s0], s1  }
0xa5: {  	s1 =	ssub.s32 @!p0 $0x0, s1;
	[sflag:s0] =	ssyncset.done @!p0 $0x0  }
0xa6: {  	[sflag:s0] =	ssyncadd.s32 @!p0 s1  }
0xa7: {  	[bflag:$0x3] =	sbarrier.arrive $0xFFFF  }
0xa8: {  	_ =	shalt  }

</sc_bundles>
